<compile_context>
chip_gen: v7x
topology: tpu7x:2x2x1
jax: 0.10.2.dev20260603
libtpu: 0.0.44.dev20260713+nightly
codegen_flags: <defaults>
</compile_context>

<pallas_src>
import functools
import math

import jax
import jax.numpy as jnp
from jax import lax
from jax.experimental import pallas as pl
from jax.experimental.pallas import tpu as pltpu
from jax.experimental.pallas import tpu_sc as plsc

MAX_TOKENS = 1024
DIM = 1024
SCALE = 1.0 / math.sqrt(DIM)

NUM_CORES = 2
NUM_SUBCORES = 16
NUM_WORKERS = NUM_CORES * NUM_SUBCORES
LANES = 16

ROWS_PER_WORKER = MAX_TOKENS // NUM_WORKERS
VECS_PER_ROW = DIM // LANES
NCHUNK = 4
CHUNK_ROWS = ROWS_PER_WORKER // NCHUNK
CHUNK_VECS = CHUNK_ROWS * VECS_PER_ROW

_mesh = plsc.VectorSubcoreMesh(
    core_axis_name="c", subcore_axis_name="s", num_cores=NUM_CORES
)


@functools.partial(
    pl.kernel,
    mesh=_mesh,
    out_type=jax.ShapeDtypeStruct((MAX_TOKENS, DIM), jnp.float32),
    scratch_types=[
        pltpu.VMEM((2, CHUNK_ROWS, DIM), jnp.float32),
        pltpu.VMEM((2, CHUNK_ROWS, DIM), jnp.float32),
        pltpu.SemaphoreType.DMA,
        pltpu.SemaphoreType.DMA,
        pltpu.SemaphoreType.DMA,
        pltpu.SemaphoreType.DMA,
    ],
)
def _scaled_copy(embed_hbm, out_hbm, buf_in, buf_out, si0, si1, so0, so1):
    wid = lax.axis_index("s") * NUM_CORES + lax.axis_index("c")
    base = wid * ROWS_PER_WORKER
    sin = (si0, si1)
    sout = (so0, so1)

    def start_in(k):
        return pltpu.async_copy(
            embed_hbm.at[pl.ds(base + k * CHUNK_ROWS, CHUNK_ROWS)],
            buf_in.at[k % 2],
            sin[k % 2],
        )

    def start_out(k):
        return pltpu.async_copy(
            buf_out.at[k % 2],
            out_hbm.at[pl.ds(base + k * CHUNK_ROWS, CHUNK_ROWS)],
            sout[k % 2],
        )

    in_handles = [start_in(0), start_in(1)]
    out_handles = [None, None]
    for k in range(NCHUNK):
        b = k % 2
        in_handles[b].wait()
        if out_handles[b] is not None:
            out_handles[b].wait()

        src = buf_in.at[b]
        dst = buf_out.at[b]

        @plsc.parallel_loop(0, CHUNK_VECS, unroll=4)
        def _(i):
            r = lax.shift_right_logical(i, 6)
            c = lax.shift_left(lax.bitwise_and(i, VECS_PER_ROW - 1), 4)
            sl = pl.ds(pl.multiple_of(c, LANES), LANES)
            dst[r, sl] = src[r, sl] * SCALE

        out_handles[b] = start_out(k)
        if k + 2 < NCHUNK:
            in_handles[b] = start_in(k + 2)
    out_handles[0].wait()
    out_handles[1].wait()


def kernel(x, embed):
    del x
    return _scaled_copy(embed)

# --- scband reference (transcript-rebuilt; emitter-appended) ---
"""Pipeline reference for scband-absolute-positional-embedding-20040317403648 (READ-ONLY COPY).

The authoritative reference and input builder live on the scoring server;
editing this copy changes nothing except your own understanding.
"""

import jax, jax.numpy as jnp
import numpy as np
from math import sqrt

MAX_TOKENS = 1024
DIM = 1024

def setup_inputs(seed: int = 0) -> dict:
    key = jax.random.key(seed)
    k1, k2 = jax.random.split(key)
    x = jax.random.normal(k1, (2, 1024, 1024), dtype=jnp.float32)
    # nn.Embedding default init: N(0, 1)
    embed = jax.random.normal(k2, (MAX_TOKENS, DIM), dtype=jnp.float32)
    return {"x": x, "embed": embed}

def reference(x, embed):
    scale = 1.0 / sqrt(DIM)
    s = x.shape[-2]
    pos = jnp.arange(s)
    return jnp.take(embed, pos, axis=0) * scale

if __name__ == "__main__":
    import jax
    _d = setup_inputs()
    print(jax.jit(kernel)(*tuple(_d.values())))

</pallas_src>

<mosaic_0001>
#map = affine_map<(d0, d1) -> (0, 0)>
module attributes {stable_mosaic.version = 14 : i64} {
  func.func @_scaled_copy(%arg0: i32, %arg1: i32, %arg2: memref<1024x1024xf32, #tpu.memory_space<hbm>>, %arg3: memref<1024x1024xf32, #tpu.memory_space<hbm>>, %arg4: memref<2x8x1024xf32, #tpu.memory_space<vmem>>, %arg5: memref<2x8x1024xf32, #tpu.memory_space<vmem>>, %arg6: memref<!tpu.dma_semaphore, #tpu.memory_space<semaphore_mem>>, %arg7: memref<!tpu.dma_semaphore, #tpu.memory_space<semaphore_mem>>, %arg8: memref<!tpu.dma_semaphore, #tpu.memory_space<semaphore_mem>>, %arg9: memref<!tpu.dma_semaphore, #tpu.memory_space<semaphore_mem>>) attributes {dimension_semantics = [#tpu.dimension_semantics<core_parallel>, #tpu.dimension_semantics<subcore_parallel>], iteration_bounds = array<i64: 2, 16>, scalar_prefetch = 0 : i64, scratch_operands = 6 : i64, tpu.core_type = #tpu.core_type<sc_vector_subcore>, window_params = [{transform_indices = #map}, {transform_indices = #map}]} {
    %mul3A = arith.constant 2 : i32
    %mul3A_0 = arith.muli %arg1, %mul3A : i32
    %add3A = arith.addi %mul3A_0, %arg0 : i32
    %mul3A_1 = arith.constant 32 : i32
    %mul3A_2 = arith.muli %add3A, %mul3A_1 : i32
    %add3A_3 = arith.constant 0 : i32
    %add3A_4 = arith.addi %mul3A_2, %add3A_3 : i32
    %dma_start3A = arith.constant 0 : i32
    %dma_start3A_5 = arith.constant 0 : i32
    %dma_start3A_6 = arith.constant 0 : i32
    %dma_start3A_7 = tpu.memref_slice %arg4[%dma_start3A, %dma_start3A_5, %dma_start3A_6] : memref<2x8x1024xf32, #tpu.memory_space<vmem>> -> memref<1x8x1024xf32, #tpu.memory_space<vmem>>
    %dma_start3A_8 = tpu.memref_squeeze %dma_start3A_7 : memref<1x8x1024xf32, #tpu.memory_space<vmem>> -> memref<8x1024xf32, #tpu.memory_space<vmem>>
    %dma_start3A_9 = arith.constant 0 : i32
    %dma_start3A_10 = tpu.memref_slice %arg2[%add3A_4, %dma_start3A_9] : memref<1024x1024xf32, #tpu.memory_space<hbm>> -> memref<8x1024xf32, #tpu.memory_space<hbm>>
    %dma_start3A_11 = arith.constant 0 : i32
    %dma_start3A_12 = arith.constant 0 : i32
    %dma_start3A_13 = tpu.memref_slice %arg4[%dma_start3A, %dma_start3A_11, %dma_start3A_12] : memref<2x8x1024xf32, #tpu.memory_space<vmem>> -> memref<1x8x1024xf32, #tpu.memory_space<vmem>>
    %dma_start3A_14 = tpu.memref_squeeze %dma_start3A_13 : memref<1x8x1024xf32, #tpu.memory_space<vmem>> -> memref<8x1024xf32, #tpu.memory_space<vmem>>
    %dma_start3A_15 = arith.constant 0 : i32
    %dma_start3A_16 = tpu.memref_slice %arg2[%add3A_4, %dma_start3A_15] : memref<1024x1024xf32, #tpu.memory_space<hbm>> -> memref<8x1024xf32, #tpu.memory_space<hbm>>
    tpu.enqueue_dma source(%dma_start3A_16 : memref<8x1024xf32, #tpu.memory_space<hbm>>) target(%dma_start3A_14 : memref<8x1024xf32, #tpu.memory_space<vmem>>) target_semaphore(%arg6 : memref<!tpu.dma_semaphore, #tpu.memory_space<semaphore_mem>>)
    %add3A_17 = arith.constant 8 : i32
    %add3A_18 = arith.addi %mul3A_2, %add3A_17 : i32
    %dma_start3A_19 = arith.constant 1 : i32
    %dma_start3A_20 = arith.constant 0 : i32
    %dma_start3A_21 = arith.constant 0 : i32
    %dma_start3A_22 = tpu.memref_slice %arg4[%dma_start3A_19, %dma_start3A_20, %dma_start3A_21] : memref<2x8x1024xf32, #tpu.memory_space<vmem>> -> memref<1x8x1024xf32, #tpu.memory_space<vmem>>
    %dma_start3A_23 = tpu.memref_squeeze %dma_start3A_22 : memref<1x8x1024xf32, #tpu.memory_space<vmem>> -> memref<8x1024xf32, #tpu.memory_space<vmem>>
    %dma_start3A_24 = arith.constant 0 : i32
    %dma_start3A_25 = tpu.memref_slice %arg2[%add3A_18, %dma_start3A_24] : memref<1024x1024xf32, #tpu.memory_space<hbm>> -> memref<8x1024xf32, #tpu.memory_space<hbm>>
    %dma_start3A_26 = arith.constant 0 : i32
    %dma_start3A_27 = arith.constant 0 : i32
    %dma_start3A_28 = tpu.memref_slice %arg4[%dma_start3A_19, %dma_start3A_26, %dma_start3A_27] : memref<2x8x1024xf32, #tpu.memory_space<vmem>> -> memref<1x8x1024xf32, #tpu.memory_space<vmem>>
    %dma_start3A_29 = tpu.memref_squeeze %dma_start3A_28 : memref<1x8x1024xf32, #tpu.memory_space<vmem>> -> memref<8x1024xf32, #tpu.memory_space<vmem>>
    %dma_start3A_30 = arith.constant 0 : i32
    %dma_start3A_31 = tpu.memref_slice %arg2[%add3A_18, %dma_start3A_30] : memref<1024x1024xf32, #tpu.memory_space<hbm>> -> memref<8x1024xf32, #tpu.memory_space<hbm>>
    tpu.enqueue_dma source(%dma_start3A_31 : memref<8x1024xf32, #tpu.memory_space<hbm>>) target(%dma_start3A_29 : memref<8x1024xf32, #tpu.memory_space<vmem>>) target_semaphore(%arg7 : memref<!tpu.dma_semaphore, #tpu.memory_space<semaphore_mem>>)
    %dma_wait3A = arith.constant 0 : i32
    %dma_wait3A_32 = arith.constant 0 : i32
    %dma_wait3A_33 = arith.constant 0 : i32
    %dma_wait3A_34 = tpu.memref_slice %arg4[%dma_wait3A, %dma_wait3A_32, %dma_wait3A_33] : memref<2x8x1024xf32, #tpu.memory_space<vmem>> -> memref<1x8x1024xf32, #tpu.memory_space<vmem>>
    %dma_wait3A_35 = tpu.memref_squeeze %dma_wait3A_34 : memref<1x8x1024xf32, #tpu.memory_space<vmem>> -> memref<8x1024xf32, #tpu.memory_space<vmem>>
    %dma_wait3A_36 = arith.constant 0 : i32
    %dma_wait3A_37 = tpu.memref_slice %arg2[%add3A_4, %dma_wait3A_36] : memref<1024x1024xf32, #tpu.memory_space<hbm>> -> memref<8x1024xf32, #tpu.memory_space<hbm>>
    %dma_wait3A_38 = arith.constant 0 : i32
    %dma_wait3A_39 = arith.constant 0 : i32
    %dma_wait3A_40 = tpu.memref_slice %arg4[%dma_wait3A, %dma_wait3A_38, %dma_wait3A_39] : memref<2x8x1024xf32, #tpu.memory_space<vmem>> -> memref<1x8x1024xf32, #tpu.memory_space<vmem>>
    %dma_wait3A_41 = tpu.memref_squeeze %dma_wait3A_40 : memref<1x8x1024xf32, #tpu.memory_space<vmem>> -> memref<8x1024xf32, #tpu.memory_space<vmem>>
    %dma_wait3A_42 = arith.constant 0 : i32
    %dma_wait3A_43 = tpu.memref_slice %arg2[%add3A_4, %dma_wait3A_42] : memref<1024x1024xf32, #tpu.memory_space<hbm>> -> memref<8x1024xf32, #tpu.memory_space<hbm>>
    tpu.wait_dma2 semaphore(%arg6 : memref<!tpu.dma_semaphore, #tpu.memory_space<semaphore_mem>>) src(%dma_wait3A_43 : memref<8x1024xf32, #tpu.memory_space<hbm>>) dst(%dma_wait3A_41 : memref<8x1024xf32, #tpu.memory_space<vmem>>)
    %parallel_loop3A = arith.constant 0 : i32
    %parallel_loop3A_44 = arith.constant 512 : i32
    %parallel_loop3A_45 = arith.constant 1 : i32
    %parallel_loop3A_46 = arith.constant 0 : i32
    %parallel_loop3A_47 = arith.constant 0 : i32
    scf.for %parallel_loop3A_244 = %parallel_loop3A to %parallel_loop3A_44 step %parallel_loop3A_45  : i32 {
      %parallel_loop3A_245 = arith.constant 6 : i32
      %parallel_loop3A_246 = arith.shrui %parallel_loop3A_244, %parallel_loop3A_245 : i32
      %parallel_loop3A_247 = arith.constant 63 : i32
      %parallel_loop3A_248 = arith.andi %parallel_loop3A_244, %parallel_loop3A_247 : i32
      %parallel_loop3A_249 = arith.constant 4 : i32
      %parallel_loop3A_250 = arith.shli %parallel_loop3A_248, %parallel_loop3A_249 : i32
      %parallel_loop3A_251 = tpu.assume_multiple %parallel_loop3A_250, 16 : i32
      %parallel_loop3A_252 = arith.constant 0 : i32
      %parallel_loop3A_253 = arith.constant 0 : i32
      %parallel_loop3A_254 = tpu.memref_slice %arg4[%parallel_loop3A_46, %parallel_loop3A_252, %parallel_loop3A_253] : memref<2x8x1024xf32, #tpu.memory_space<vmem>> -> memref<1x8x1024xf32, #tpu.memory_space<vmem>>
      %parallel_loop3A_255 = tpu.memref_squeeze %parallel_loop3A_254 : memref<1x8x1024xf32, #tpu.memory_space<vmem>> -> memref<8x1024xf32, #tpu.memory_space<vmem>>
      %parallel_loop3A_256 = arith.index_cast %parallel_loop3A_246 : i32 to index
      %parallel_loop3A_257 = arith.index_cast %parallel_loop3A_251 : i32 to index
      %parallel_loop3A_258 = tpu.vector_load %parallel_loop3A_255[%parallel_loop3A_256, %parallel_loop3A_257] {strides = array<i32>} : memref<8x1024xf32, #tpu.memory_space<vmem>>, vector<1x16xf32>,
      %parallel_loop3A_259 = vector.shape_cast %parallel_loop3A_258 : vector<1x16xf32> to vector<16xf32>
      %parallel_loop3A_260 = arith.constant 3.125000e-02 : f32
      %parallel_loop3A_261 = vector.broadcast %parallel_loop3A_260 : f32 to vector<16xf32>
      %parallel_loop3A_262 = arith.mulf %parallel_loop3A_259, %parallel_loop3A_261 : vector<16xf32>
      %parallel_loop3A_263 = arith.constant 0 : i32
      %parallel_loop3A_264 = arith.constant 0 : i32
      %parallel_loop3A_265 = tpu.memref_slice %arg5[%parallel_loop3A_47, %parallel_loop3A_263, %parallel_loop3A_264] : memref<2x8x1024xf32, #tpu.memory_space<vmem>> -> memref<1x8x1024xf32, #tpu.memory_space<vmem>>
      %parallel_loop3A_266 = tpu.memref_squeeze %parallel_loop3A_265 : memref<1x8x1024xf32, #tpu.memory_space<vmem>> -> memref<8x1024xf32, #tpu.memory_space<vmem>>
      %parallel_loop3A_267 = arith.index_cast %parallel_loop3A_246 : i32 to index
      %parallel_loop3A_268 = arith.index_cast %parallel_loop3A_251 : i32 to index
      %parallel_loop3A_269 = tpu.vector_load %parallel_loop3A_266[%parallel_loop3A_267, %parallel_loop3A_268] {strides = array<i32>} : memref<8x1024xf32, #tpu.memory_space<vmem>>, vector<1x16xf32>,
      %parallel_loop3A_270 = vector.shape_cast %parallel_loop3A_269 : vector<1x16xf32> to vector<16xf32>
      %parallel_loop3A_271 = vector.shape_cast %parallel_loop3A_262 : vector<16xf32> to vector<1x16xf32>
      tpu.vector_store %parallel_loop3A_266[%parallel_loop3A_267, %parallel_loop3A_268], %parallel_loop3A_271 {strides = array<i32>} : memref<8x1024xf32, #tpu.memory_space<vmem>>, vector<1x16xf32>,
    } {sc.loop_unroll_factor = 4 : i64, sc.parallel_access}
    %add3A_48 = arith.constant 0 : i32
    %add3A_49 = arith.addi %mul3A_2, %add3A_48 : i32
    %dma_start3A_50 = arith.constant 0 : i32
    %dma_start3A_51 = arith.constant 0 : i32
    %dma_start3A_52 = arith.constant 0 : i32
    %dma_start3A_53 = tpu.memref_slice %arg5[%dma_start3A_50, %dma_start3A_51, %dma_start3A_52] : memref<2x8x1024xf32, #tpu.memory_space<vmem>> -> memref<1x8x1024xf32, #tpu.memory_space<vmem>>
    %dma_start3A_54 = tpu.memref_squeeze %dma_start3A_53 : memref<1x8x1024xf32, #tpu.memory_space<vmem>> -> memref<8x1024xf32, #tpu.memory_space<vmem>>
    %dma_start3A_55 = arith.constant 0 : i32
    %dma_start3A_56 = tpu.memref_slice %arg3[%add3A_49, %dma_start3A_55] : memref<1024x1024xf32, #tpu.memory_space<hbm>> -> memref<8x1024xf32, #tpu.memory_space<hbm>>
    %dma_start3A_57 = arith.constant 0 : i32
    %dma_start3A_58 = tpu.memref_slice %arg3[%add3A_49, %dma_start3A_57] : memref<1024x1024xf32, #tpu.memory_space<hbm>> -> memref<8x1024xf32, #tpu.memory_space<hbm>>
    %dma_start3A_59 = arith.constant 0 : i32
    %dma_start3A_60 = arith.constant 0 : i32
    %dma_start3A_61 = tpu.memref_slice %arg5[%dma_start3A_50, %dma_start3A_59, %dma_start3A_60] : memref<2x8x1024xf32, #tpu.memory_space<vmem>> -> memref<1x8x1024xf32, #tpu.memory_space<vmem>>
    %dma_start3A_62 = tpu.memref_squeeze %dma_start3A_61 : memref<1x8x1024xf32, #tpu.memory_space<vmem>> -> memref<8x1024xf32, #tpu.memory_space<vmem>>
    tpu.enqueue_dma source(%dma_start3A_62 : memref<8x1024xf32, #tpu.memory_space<vmem>>) target(%dma_start3A_58 : memref<8x1024xf32, #tpu.memory_space<hbm>>) target_semaphore(%arg8 : memref<!tpu.dma_semaphore, #tpu.memory_space<semaphore_mem>>)
    %add3A_63 = arith.constant 16 : i32
    %add3A_64 = arith.addi %mul3A_2, %add3A_63 : i32
    %dma_start3A_65 = arith.constant 0 : i32
    %dma_start3A_66 = arith.constant 0 : i32
    %dma_start3A_67 = arith.constant 0 : i32
    %dma_start3A_68 = tpu.memref_slice %arg4[%dma_start3A_65, %dma_start3A_66, %dma_start3A_67] : memref<2x8x1024xf32, #tpu.memory_space<vmem>> -> memref<1x8x1024xf32, #tpu.memory_space<vmem>>
    %dma_start3A_69 = tpu.memref_squeeze %dma_start3A_68 : memref<1x8x1024xf32, #tpu.memory_space<vmem>> -> memref<8x1024xf32, #tpu.memory_space<vmem>>
    %dma_start3A_70 = arith.constant 0 : i32
    %dma_start3A_71 = tpu.memref_slice %arg2[%add3A_64, %dma_start3A_70] : memref<1024x1024xf32, #tpu.memory_space<hbm>> -> memref<8x1024xf32, #tpu.memory_space<hbm>>
    %dma_start3A_72 = arith.constant 0 : i32
    %dma_start3A_73 = arith.constant 0 : i32
    %dma_start3A_74 = tpu.memref_slice %arg4[%dma_start3A_65, %dma_start3A_72, %dma_start3A_73] : memref<2x8x1024xf32, #tpu.memory_space<vmem>> -> memref<1x8x1024xf32, #tpu.memory_space<vmem>>
    %dma_start3A_75 = tpu.memref_squeeze %dma_start3A_74 : memref<1x8x1024xf32, #tpu.memory_space<vmem>> -> memref<8x1024xf32, #tpu.memory_space<vmem>>
    %dma_start3A_76 = arith.constant 0 : i32
    %dma_start3A_77 = tpu.memref_slice %arg2[%add3A_64, %dma_start3A_76] : memref<1024x1024xf32, #tpu.memory_space<hbm>> -> memref<8x1024xf32, #tpu.memory_space<hbm>>
    tpu.enqueue_dma source(%dma_start3A_77 : memref<8x1024xf32, #tpu.memory_space<hbm>>) target(%dma_start3A_75 : memref<8x1024xf32, #tpu.memory_space<vmem>>) target_semaphore(%arg6 : memref<!tpu.dma_semaphore, #tpu.memory_space<semaphore_mem>>)
    %dma_wait3A_78 = arith.constant 1 : i32
    %dma_wait3A_79 = arith.constant 0 : i32
    %dma_wait3A_80 = arith.constant 0 : i32
    %dma_wait3A_81 = tpu.memref_slice %arg4[%dma_wait3A_78, %dma_wait3A_79, %dma_wait3A_80] : memref<2x8x1024xf32, #tpu.memory_space<vmem>> -> memref<1x8x1024xf32, #tpu.memory_space<vmem>>
    %dma_wait3A_82 = tpu.memref_squeeze %dma_wait3A_81 : memref<1x8x1024xf32, #tpu.memory_space<vmem>> -> memref<8x1024xf32, #tpu.memory_space<vmem>>
    %dma_wait3A_83 = arith.constant 0 : i32
    %dma_wait3A_84 = tpu.memref_slice %arg2[%add3A_18, %dma_wait3A_83] : memref<1024x1024xf32, #tpu.memory_space<hbm>> -> memref<8x1024xf32, #tpu.memory_space<hbm>>
    %dma_wait3A_85 = arith.constant 0 : i32
    %dma_wait3A_86 = arith.constant 0 : i32
    %dma_wait3A_87 = tpu.memref_slice %arg4[%dma_wait3A_78, %dma_wait3A_85, %dma_wait3A_86] : memref<2x8x1024xf32, #tpu.memory_space<vmem>> -> memref<1x8x1024xf32, #tpu.memory_space<vmem>>
    %dma_wait3A_88 = tpu.memref_squeeze %dma_wait3A_87 : memref<1x8x1024xf32, #tpu.memory_space<vmem>> -> memref<8x1024xf32, #tpu.memory_space<vmem>>
    %dma_wait3A_89 = arith.constant 0 : i32
    %dma_wait3A_90 = tpu.memref_slice %arg2[%add3A_18, %dma_wait3A_89] : memref<1024x1024xf32, #tpu.memory_space<hbm>> -> memref<8x1024xf32, #tpu.memory_space<hbm>>
    tpu.wait_dma2 semaphore(%arg7 : memref<!tpu.dma_semaphore, #tpu.memory_space<semaphore_mem>>) src(%dma_wait3A_90 : memref<8x1024xf32, #tpu.memory_space<hbm>>) dst(%dma_wait3A_88 : memref<8x1024xf32, #tpu.memory_space<vmem>>)
    %parallel_loop3A_91 = arith.constant 0 : i32
    %parallel_loop3A_92 = arith.constant 512 : i32
    %parallel_loop3A_93 = arith.constant 1 : i32
    %parallel_loop3A_94 = arith.constant 1 : i32
    %parallel_loop3A_95 = arith.constant 1 : i32
    scf.for %parallel_loop3A_244 = %parallel_loop3A_91 to %parallel_loop3A_92 step %parallel_loop3A_93  : i32 {
      %parallel_loop3A_245 = arith.constant 6 : i32
      %parallel_loop3A_246 = arith.shrui %parallel_loop3A_244, %parallel_loop3A_245 : i32
      %parallel_loop3A_247 = arith.constant 63 : i32
      %parallel_loop3A_248 = arith.andi %parallel_loop3A_244, %parallel_loop3A_247 : i32
      %parallel_loop3A_249 = arith.constant 4 : i32
      %parallel_loop3A_250 = arith.shli %parallel_loop3A_248, %parallel_loop3A_249 : i32
      %parallel_loop3A_251 = tpu.assume_multiple %parallel_loop3A_250, 16 : i32
      %parallel_loop3A_252 = arith.constant 0 : i32
      %parallel_loop3A_253 = arith.constant 0 : i32
      %parallel_loop3A_254 = tpu.memref_slice %arg4[%parallel_loop3A_94, %parallel_loop3A_252, %parallel_loop3A_253] : memref<2x8x1024xf32, #tpu.memory_space<vmem>> -> memref<1x8x1024xf32, #tpu.memory_space<vmem>>
      %parallel_loop3A_255 = tpu.memref_squeeze %parallel_loop3A_254 : memref<1x8x1024xf32, #tpu.memory_space<vmem>> -> memref<8x1024xf32, #tpu.memory_space<vmem>>
      %parallel_loop3A_256 = arith.index_cast %parallel_loop3A_246 : i32 to index
      %parallel_loop3A_257 = arith.index_cast %parallel_loop3A_251 : i32 to index
      %parallel_loop3A_258 = tpu.vector_load %parallel_loop3A_255[%parallel_loop3A_256, %parallel_loop3A_257] {strides = array<i32>} : memref<8x1024xf32, #tpu.memory_space<vmem>>, vector<1x16xf32>,
      %parallel_loop3A_259 = vector.shape_cast %parallel_loop3A_258 : vector<1x16xf32> to vector<16xf32>
      %parallel_loop3A_260 = arith.constant 3.125000e-02 : f32
      %parallel_loop3A_261 = vector.broadcast %parallel_loop3A_260 : f32 to vector<16xf32>
      %parallel_loop3A_262 = arith.mulf %parallel_loop3A_259, %parallel_loop3A_261 : vector<16xf32>
      %parallel_loop3A_263 = arith.constant 0 : i32
      %parallel_loop3A_264 = arith.constant 0 : i32
      %parallel_loop3A_265 = tpu.memref_slice %arg5[%parallel_loop3A_95, %parallel_loop3A_263, %parallel_loop3A_264] : memref<2x8x1024xf32, #tpu.memory_space<vmem>> -> memref<1x8x1024xf32, #tpu.memory_space<vmem>>
      %parallel_loop3A_266 = tpu.memref_squeeze %parallel_loop3A_265 : memref<1x8x1024xf32, #tpu.memory_space<vmem>> -> memref<8x1024xf32, #tpu.memory_space<vmem>>
      %parallel_loop3A_267 = arith.index_cast %parallel_loop3A_246 : i32 to index
      %parallel_loop3A_268 = arith.index_cast %parallel_loop3A_251 : i32 to index
      %parallel_loop3A_269 = tpu.vector_load %parallel_loop3A_266[%parallel_loop3A_267, %parallel_loop3A_268] {strides = array<i32>} : memref<8x1024xf32, #tpu.memory_space<vmem>>, vector<1x16xf32>,
      %parallel_loop3A_270 = vector.shape_cast %parallel_loop3A_269 : vector<1x16xf32> to vector<16xf32>
      %parallel_loop3A_271 = vector.shape_cast %parallel_loop3A_262 : vector<16xf32> to vector<1x16xf32>
      tpu.vector_store %parallel_loop3A_266[%parallel_loop3A_267, %parallel_loop3A_268], %parallel_loop3A_271 {strides = array<i32>} : memref<8x1024xf32, #tpu.memory_space<vmem>>, vector<1x16xf32>,
    } {sc.loop_unroll_factor = 4 : i64, sc.parallel_access}
    %add3A_96 = arith.constant 8 : i32
    %add3A_97 = arith.addi %mul3A_2, %add3A_96 : i32
    %dma_start3A_98 = arith.constant 1 : i32
    %dma_start3A_99 = arith.constant 0 : i32
    %dma_start3A_100 = arith.constant 0 : i32
    %dma_start3A_101 = tpu.memref_slice %arg5[%dma_start3A_98, %dma_start3A_99, %dma_start3A_100] : memref<2x8x1024xf32, #tpu.memory_space<vmem>> -> memref<1x8x1024xf32, #tpu.memory_space<vmem>>
    %dma_start3A_102 = tpu.memref_squeeze %dma_start3A_101 : memref<1x8x1024xf32, #tpu.memory_space<vmem>> -> memref<8x1024xf32, #tpu.memory_space<vmem>>
    %dma_start3A_103 = arith.constant 0 : i32
    %dma_start3A_104 = tpu.memref_slice %arg3[%add3A_97, %dma_start3A_103] : memref<1024x1024xf32, #tpu.memory_space<hbm>> -> memref<8x1024xf32, #tpu.memory_space<hbm>>
    %dma_start3A_105 = arith.constant 0 : i32
    %dma_start3A_106 = tpu.memref_slice %arg3[%add3A_97, %dma_start3A_105] : memref<1024x1024xf32, #tpu.memory_space<hbm>> -> memref<8x1024xf32, #tpu.memory_space<hbm>>
    %dma_start3A_107 = arith.constant 0 : i32
    %dma_start3A_108 = arith.constant 0 : i32
    %dma_start3A_109 = tpu.memref_slice %arg5[%dma_start3A_98, %dma_start3A_107, %dma_start3A_108] : memref<2x8x1024xf32, #tpu.memory_space<vmem>> -> memref<1x8x1024xf32, #tpu.memory_space<vmem>>
    %dma_start3A_110 = tpu.memref_squeeze %dma_start3A_109 : memref<1x8x1024xf32, #tpu.memory_space<vmem>> -> memref<8x1024xf32, #tpu.memory_space<vmem>>
    tpu.enqueue_dma source(%dma_start3A_110 : memref<8x1024xf32, #tpu.memory_space<vmem>>) target(%dma_start3A_106 : memref<8x1024xf32, #tpu.memory_space<hbm>>) target_semaphore(%arg9 : memref<!tpu.dma_semaphore, #tpu.memory_space<semaphore_mem>>)
    %add3A_111 = arith.constant 24 : i32
    %add3A_112 = arith.addi %mul3A_2, %add3A_111 : i32
    %dma_start3A_113 = arith.constant 1 : i32
    %dma_start3A_114 = arith.constant 0 : i32
    %dma_start3A_115 = arith.constant 0 : i32
    %dma_start3A_116 = tpu.memref_slice %arg4[%dma_start3A_113, %dma_start3A_114, %dma_start3A_115] : memref<2x8x1024xf32, #tpu.memory_space<vmem>> -> memref<1x8x1024xf32, #tpu.memory_space<vmem>>
    %dma_start3A_117 = tpu.memref_squeeze %dma_start3A_116 : memref<1x8x1024xf32, #tpu.memory_space<vmem>> -> memref<8x1024xf32, #tpu.memory_space<vmem>>
    %dma_start3A_118 = arith.constant 0 : i32
    %dma_start3A_119 = tpu.memref_slice %arg2[%add3A_112, %dma_start3A_118] : memref<1024x1024xf32, #tpu.memory_space<hbm>> -> memref<8x1024xf32, #tpu.memory_space<hbm>>
    %dma_start3A_120 = arith.constant 0 : i32
    %dma_start3A_121 = arith.constant 0 : i32
    %dma_start3A_122 = tpu.memref_slice %arg4[%dma_start3A_113, %dma_start3A_120, %dma_start3A_121] : memref<2x8x1024xf32, #tpu.memory_space<vmem>> -> memref<1x8x1024xf32, #tpu.memory_space<vmem>>
    %dma_start3A_123 = tpu.memref_squeeze %dma_start3A_122 : memref<1x8x1024xf32, #tpu.memory_space<vmem>> -> memref<8x1024xf32, #tpu.memory_space<vmem>>
    %dma_start3A_124 = arith.constant 0 : i32
    %dma_start3A_125 = tpu.memref_slice %arg2[%add3A_112, %dma_start3A_124] : memref<1024x1024xf32, #tpu.memory_space<hbm>> -> memref<8x1024xf32, #tpu.memory_space<hbm>>
    tpu.enqueue_dma source(%dma_start3A_125 : memref<8x1024xf32, #tpu.memory_space<hbm>>) target(%dma_start3A_123 : memref<8x1024xf32, #tpu.memory_space<vmem>>) target_semaphore(%arg7 : memref<!tpu.dma_semaphore, #tpu.memory_space<semaphore_mem>>)
    %dma_wait3A_126 = arith.constant 0 : i32
    %dma_wait3A_127 = arith.constant 0 : i32
    %dma_wait3A_128 = arith.constant 0 : i32
    %dma_wait3A_129 = tpu.memref_slice %arg4[%dma_wait3A_126, %dma_wait3A_127, %dma_wait3A_128] : memref<2x8x1024xf32, #tpu.memory_space<vmem>> -> memref<1x8x1024xf32, #tpu.memory_space<vmem>>
    %dma_wait3A_130 = tpu.memref_squeeze %dma_wait3A_129 : memref<1x8x1024xf32, #tpu.memory_space<vmem>> -> memref<8x1024xf32, #tpu.memory_space<vmem>>
    %dma_wait3A_131 = arith.constant 0 : i32
    %dma_wait3A_132 = tpu.memref_slice %arg2[%add3A_64, %dma_wait3A_131] : memref<1024x1024xf32, #tpu.memory_space<hbm>> -> memref<8x1024xf32, #tpu.memory_space<hbm>>
    %dma_wait3A_133 = arith.constant 0 : i32
    %dma_wait3A_134 = arith.constant 0 : i32
    %dma_wait3A_135 = tpu.memref_slice %arg4[%dma_wait3A_126, %dma_wait3A_133, %dma_wait3A_134] : memref<2x8x1024xf32, #tpu.memory_space<vmem>> -> memref<1x8x1024xf32, #tpu.memory_space<vmem>>
    %dma_wait3A_136 = tpu.memref_squeeze %dma_wait3A_135 : memref<1x8x1024xf32, #tpu.memory_space<vmem>> -> memref<8x1024xf32, #tpu.memory_space<vmem>>
    %dma_wait3A_137 = arith.constant 0 : i32
    %dma_wait3A_138 = tpu.memref_slice %arg2[%add3A_64, %dma_wait3A_137] : memref<1024x1024xf32, #tpu.memory_space<hbm>> -> memref<8x1024xf32, #tpu.memory_space<hbm>>
    tpu.wait_dma2 semaphore(%arg6 : memref<!tpu.dma_semaphore, #tpu.memory_space<semaphore_mem>>) src(%dma_wait3A_138 : memref<8x1024xf32, #tpu.memory_space<hbm>>) dst(%dma_wait3A_136 : memref<8x1024xf32, #tpu.memory_space<vmem>>)
    %dma_wait3A_139 = arith.constant 0 : i32
    %dma_wait3A_140 = arith.constant 0 : i32
    %dma_wait3A_141 = arith.constant 0 : i32
    %dma_wait3A_142 = tpu.memref_slice %arg5[%dma_wait3A_139, %dma_wait3A_140, %dma_wait3A_141] : memref<2x8x1024xf32, #tpu.memory_space<vmem>> -> memref<1x8x1024xf32, #tpu.memory_space<vmem>>
    %dma_wait3A_143 = tpu.memref_squeeze %dma_wait3A_142 : memref<1x8x1024xf32, #tpu.memory_space<vmem>> -> memref<8x1024xf32, #tpu.memory_space<vmem>>
    %dma_wait3A_144 = arith.constant 0 : i32
    %dma_wait3A_145 = tpu.memref_slice %arg3[%add3A_49, %dma_wait3A_144] : memref<1024x1024xf32, #tpu.memory_space<hbm>> -> memref<8x1024xf32, #tpu.memory_space<hbm>>
    %dma_wait3A_146 = arith.constant 0 : i32
    %dma_wait3A_147 = tpu.memref_slice %arg3[%add3A_49, %dma_wait3A_146] : memref<1024x1024xf32, #tpu.memory_space<hbm>> -> memref<8x1024xf32, #tpu.memory_space<hbm>>
    %dma_wait3A_148 = arith.constant 0 : i32
    %dma_wait3A_149 = arith.constant 0 : i32
    %dma_wait3A_150 = tpu.memref_slice %arg5[%dma_wait3A_139, %dma_wait3A_148, %dma_wait3A_149] : memref<2x8x1024xf32, #tpu.memory_space<vmem>> -> memref<1x8x1024xf32, #tpu.memory_space<vmem>>
    %dma_wait3A_151 = tpu.memref_squeeze %dma_wait3A_150 : memref<1x8x1024xf32, #tpu.memory_space<vmem>> -> memref<8x1024xf32, #tpu.memory_space<vmem>>
    tpu.wait_dma2 semaphore(%arg8 : memref<!tpu.dma_semaphore, #tpu.memory_space<semaphore_mem>>) src(%dma_wait3A_151 : memref<8x1024xf32, #tpu.memory_space<vmem>>) dst(%dma_wait3A_147 : memref<8x1024xf32, #tpu.memory_space<hbm>>)
    %parallel_loop3A_152 = arith.constant 0 : i32
    %parallel_loop3A_153 = arith.constant 512 : i32
    %parallel_loop3A_154 = arith.constant 1 : i32
    %parallel_loop3A_155 = arith.constant 0 : i32
    %parallel_loop3A_156 = arith.constant 0 : i32
    scf.for %parallel_loop3A_244 = %parallel_loop3A_152 to %parallel_loop3A_153 step %parallel_loop3A_154  : i32 {
      %parallel_loop3A_245 = arith.constant 6 : i32
      %parallel_loop3A_246 = arith.shrui %parallel_loop3A_244, %parallel_loop3A_245 : i32
      %parallel_loop3A_247 = arith.constant 63 : i32
      %parallel_loop3A_248 = arith.andi %parallel_loop3A_244, %parallel_loop3A_247 : i32
      %parallel_loop3A_249 = arith.constant 4 : i32
      %parallel_loop3A_250 = arith.shli %parallel_loop3A_248, %parallel_loop3A_249 : i32
      %parallel_loop3A_251 = tpu.assume_multiple %parallel_loop3A_250, 16 : i32
      %parallel_loop3A_252 = arith.constant 0 : i32
      %parallel_loop3A_253 = arith.constant 0 : i32
      %parallel_loop3A_254 = tpu.memref_slice %arg4[%parallel_loop3A_155, %parallel_loop3A_252, %parallel_loop3A_253] : memref<2x8x1024xf32, #tpu.memory_space<vmem>> -> memref<1x8x1024xf32, #tpu.memory_space<vmem>>
      %parallel_loop3A_255 = tpu.memref_squeeze %parallel_loop3A_254 : memref<1x8x1024xf32, #tpu.memory_space<vmem>> -> memref<8x1024xf32, #tpu.memory_space<vmem>>
      %parallel_loop3A_256 = arith.index_cast %parallel_loop3A_246 : i32 to index
      %parallel_loop3A_257 = arith.index_cast %parallel_loop3A_251 : i32 to index
      %parallel_loop3A_258 = tpu.vector_load %parallel_loop3A_255[%parallel_loop3A_256, %parallel_loop3A_257] {strides = array<i32>} : memref<8x1024xf32, #tpu.memory_space<vmem>>, vector<1x16xf32>,
      %parallel_loop3A_259 = vector.shape_cast %parallel_loop3A_258 : vector<1x16xf32> to vector<16xf32>
      %parallel_loop3A_260 = arith.constant 3.125000e-02 : f32
      %parallel_loop3A_261 = vector.broadcast %parallel_loop3A_260 : f32 to vector<16xf32>
      %parallel_loop3A_262 = arith.mulf %parallel_loop3A_259, %parallel_loop3A_261 : vector<16xf32>
      %parallel_loop3A_263 = arith.constant 0 : i32
      %parallel_loop3A_264 = arith.constant 0 : i32
      %parallel_loop3A_265 = tpu.memref_slice %arg5[%parallel_loop3A_156, %parallel_loop3A_263, %parallel_loop3A_264] : memref<2x8x1024xf32, #tpu.memory_space<vmem>> -> memref<1x8x1024xf32, #tpu.memory_space<vmem>>
      %parallel_loop3A_266 = tpu.memref_squeeze %parallel_loop3A_265 : memref<1x8x1024xf32, #tpu.memory_space<vmem>> -> memref<8x1024xf32, #tpu.memory_space<vmem>>
      %parallel_loop3A_267 = arith.index_cast %parallel_loop3A_246 : i32 to index
      %parallel_loop3A_268 = arith.index_cast %parallel_loop3A_251 : i32 to index
      %parallel_loop3A_269 = tpu.vector_load %parallel_loop3A_266[%parallel_loop3A_267, %parallel_loop3A_268] {strides = array<i32>} : memref<8x1024xf32, #tpu.memory_space<vmem>>, vector<1x16xf32>,
      %parallel_loop3A_270 = vector.shape_cast %parallel_loop3A_269 : vector<1x16xf32> to vector<16xf32>
      %parallel_loop3A_271 = vector.shape_cast %parallel_loop3A_262 : vector<16xf32> to vector<1x16xf32>
      tpu.vector_store %parallel_loop3A_266[%parallel_loop3A_267, %parallel_loop3A_268], %parallel_loop3A_271 {strides = array<i32>} : memref<8x1024xf32, #tpu.memory_space<vmem>>, vector<1x16xf32>,
    } {sc.loop_unroll_factor = 4 : i64, sc.parallel_access}
    %add3A_157 = arith.constant 16 : i32
    %add3A_158 = arith.addi %mul3A_2, %add3A_157 : i32
    %dma_start3A_159 = arith.constant 0 : i32
    %dma_start3A_160 = arith.constant 0 : i32
    %dma_start3A_161 = arith.constant 0 : i32
    %dma_start3A_162 = tpu.memref_slice %arg5[%dma_start3A_159, %dma_start3A_160, %dma_start3A_161] : memref<2x8x1024xf32, #tpu.memory_space<vmem>> -> memref<1x8x1024xf32, #tpu.memory_space<vmem>>
    %dma_start3A_163 = tpu.memref_squeeze %dma_start3A_162 : memref<1x8x1024xf32, #tpu.memory_space<vmem>> -> memref<8x1024xf32, #tpu.memory_space<vmem>>
    %dma_start3A_164 = arith.constant 0 : i32
    %dma_start3A_165 = tpu.memref_slice %arg3[%add3A_158, %dma_start3A_164] : memref<1024x1024xf32, #tpu.memory_space<hbm>> -> memref<8x1024xf32, #tpu.memory_space<hbm>>
    %dma_start3A_166 = arith.constant 0 : i32
    %dma_start3A_167 = tpu.memref_slice %arg3[%add3A_158, %dma_start3A_166] : memref<1024x1024xf32, #tpu.memory_space<hbm>> -> memref<8x1024xf32, #tpu.memory_space<hbm>>
    %dma_start3A_168 = arith.constant 0 : i32
    %dma_start3A_169 = arith.constant 0 : i32
    %dma_start3A_170 = tpu.memref_slice %arg5[%dma_start3A_159, %dma_start3A_168, %dma_start3A_169] : memref<2x8x1024xf32, #tpu.memory_space<vmem>> -> memref<1x8x1024xf32, #tpu.memory_space<vmem>>
    %dma_start3A_171 = tpu.memref_squeeze %dma_start3A_170 : memref<1x8x1024xf32, #tpu.memory_space<vmem>> -> memref<8x1024xf32, #tpu.memory_space<vmem>>
    tpu.enqueue_dma source(%dma_start3A_171 : memref<8x1024xf32, #tpu.memory_space<vmem>>) target(%dma_start3A_167 : memref<8x1024xf32, #tpu.memory_space<hbm>>) target_semaphore(%arg8 : memref<!tpu.dma_semaphore, #tpu.memory_space<semaphore_mem>>)
    %dma_wait3A_172 = arith.constant 1 : i32
    %dma_wait3A_173 = arith.constant 0 : i32
    %dma_wait3A_174 = arith.constant 0 : i32
    %dma_wait3A_175 = tpu.memref_slice %arg4[%dma_wait3A_172, %dma_wait3A_173, %dma_wait3A_174] : memref<2x8x1024xf32, #tpu.memory_space<vmem>> -> memref<1x8x1024xf32, #tpu.memory_space<vmem>>
    %dma_wait3A_176 = tpu.memref_squeeze %dma_wait3A_175 : memref<1x8x1024xf32, #tpu.memory_space<vmem>> -> memref<8x1024xf32, #tpu.memory_space<vmem>>
    %dma_wait3A_177 = arith.constant 0 : i32
    %dma_wait3A_178 = tpu.memref_slice %arg2[%add3A_112, %dma_wait3A_177] : memref<1024x1024xf32, #tpu.memory_space<hbm>> -> memref<8x1024xf32, #tpu.memory_space<hbm>>
    %dma_wait3A_179 = arith.constant 0 : i32
    %dma_wait3A_180 = arith.constant 0 : i32
    %dma_wait3A_181 = tpu.memref_slice %arg4[%dma_wait3A_172, %dma_wait3A_179, %dma_wait3A_180] : memref<2x8x1024xf32, #tpu.memory_space<vmem>> -> memref<1x8x1024xf32, #tpu.memory_space<vmem>>
    %dma_wait3A_182 = tpu.memref_squeeze %dma_wait3A_181 : memref<1x8x1024xf32, #tpu.memory_space<vmem>> -> memref<8x1024xf32, #tpu.memory_space<vmem>>
    %dma_wait3A_183 = arith.constant 0 : i32
    %dma_wait3A_184 = tpu.memref_slice %arg2[%add3A_112, %dma_wait3A_183] : memref<1024x1024xf32, #tpu.memory_space<hbm>> -> memref<8x1024xf32, #tpu.memory_space<hbm>>
    tpu.wait_dma2 semaphore(%arg7 : memref<!tpu.dma_semaphore, #tpu.memory_space<semaphore_mem>>) src(%dma_wait3A_184 : memref<8x1024xf32, #tpu.memory_space<hbm>>) dst(%dma_wait3A_182 : memref<8x1024xf32, #tpu.memory_space<vmem>>)
    %dma_wait3A_185 = arith.constant 1 : i32
    %dma_wait3A_186 = arith.constant 0 : i32
    %dma_wait3A_187 = arith.constant 0 : i32
    %dma_wait3A_188 = tpu.memref_slice %arg5[%dma_wait3A_185, %dma_wait3A_186, %dma_wait3A_187] : memref<2x8x1024xf32, #tpu.memory_space<vmem>> -> memref<1x8x1024xf32, #tpu.memory_space<vmem>>
    %dma_wait3A_189 = tpu.memref_squeeze %dma_wait3A_188 : memref<1x8x1024xf32, #tpu.memory_space<vmem>> -> memref<8x1024xf32, #tpu.memory_space<vmem>>
    %dma_wait3A_190 = arith.constant 0 : i32
    %dma_wait3A_191 = tpu.memref_slice %arg3[%add3A_97, %dma_wait3A_190] : memref<1024x1024xf32, #tpu.memory_space<hbm>> -> memref<8x1024xf32, #tpu.memory_space<hbm>>
    %dma_wait3A_192 = arith.constant 0 : i32
    %dma_wait3A_193 = tpu.memref_slice %arg3[%add3A_97, %dma_wait3A_192] : memref<1024x1024xf32, #tpu.memory_space<hbm>> -> memref<8x1024xf32, #tpu.memory_space<hbm>>
    %dma_wait3A_194 = arith.constant 0 : i32
    %dma_wait3A_195 = arith.constant 0 : i32
    %dma_wait3A_196 = tpu.memref_slice %arg5[%dma_wait3A_185, %dma_wait3A_194, %dma_wait3A_195] : memref<2x8x1024xf32, #tpu.memory_space<vmem>> -> memref<1x8x1024xf32, #tpu.memory_space<vmem>>
    %dma_wait3A_197 = tpu.memref_squeeze %dma_wait3A_196 : memref<1x8x1024xf32, #tpu.memory_space<vmem>> -> memref<8x1024xf32, #tpu.memory_space<vmem>>
    tpu.wait_dma2 semaphore(%arg9 : memref<!tpu.dma_semaphore, #tpu.memory_space<semaphore_mem>>) src(%dma_wait3A_197 : memref<8x1024xf32, #tpu.memory_space<vmem>>) dst(%dma_wait3A_193 : memref<8x1024xf32, #tpu.memory_space<hbm>>)
    %parallel_loop3A_198 = arith.constant 0 : i32
    %parallel_loop3A_199 = arith.constant 512 : i32
    %parallel_loop3A_200 = arith.constant 1 : i32
    %parallel_loop3A_201 = arith.constant 1 : i32
    %parallel_loop3A_202 = arith.constant 1 : i32
    scf.for %parallel_loop3A_244 = %parallel_loop3A_198 to %parallel_loop3A_199 step %parallel_loop3A_200  : i32 {
      %parallel_loop3A_245 = arith.constant 6 : i32
      %parallel_loop3A_246 = arith.shrui %parallel_loop3A_244, %parallel_loop3A_245 : i32
      %parallel_loop3A_247 = arith.constant 63 : i32
      %parallel_loop3A_248 = arith.andi %parallel_loop3A_244, %parallel_loop3A_247 : i32
      %parallel_loop3A_249 = arith.constant 4 : i32
      %parallel_loop3A_250 = arith.shli %parallel_loop3A_248, %parallel_loop3A_249 : i32
      %parallel_loop3A_251 = tpu.assume_multiple %parallel_loop3A_250, 16 : i32
      %parallel_loop3A_252 = arith.constant 0 : i32
      %parallel_loop3A_253 = arith.constant 0 : i32
      %parallel_loop3A_254 = tpu.memref_slice %arg4[%parallel_loop3A_201, %parallel_loop3A_252, %parallel_loop3A_253] : memref<2x8x1024xf32, #tpu.memory_space<vmem>> -> memref<1x8x1024xf32, #tpu.memory_space<vmem>>
      %parallel_loop3A_255 = tpu.memref_squeeze %parallel_loop3A_254 : memref<1x8x1024xf32, #tpu.memory_space<vmem>> -> memref<8x1024xf32, #tpu.memory_space<vmem>>
      %parallel_loop3A_256 = arith.index_cast %parallel_loop3A_246 : i32 to index
      %parallel_loop3A_257 = arith.index_cast %parallel_loop3A_251 : i32 to index
      %parallel_loop3A_258 = tpu.vector_load %parallel_loop3A_255[%parallel_loop3A_256, %parallel_loop3A_257] {strides = array<i32>} : memref<8x1024xf32, #tpu.memory_space<vmem>>, vector<1x16xf32>,
      %parallel_loop3A_259 = vector.shape_cast %parallel_loop3A_258 : vector<1x16xf32> to vector<16xf32>
      %parallel_loop3A_260 = arith.constant 3.125000e-02 : f32
      %parallel_loop3A_261 = vector.broadcast %parallel_loop3A_260 : f32 to vector<16xf32>
      %parallel_loop3A_262 = arith.mulf %parallel_loop3A_259, %parallel_loop3A_261 : vector<16xf32>
      %parallel_loop3A_263 = arith.constant 0 : i32
      %parallel_loop3A_264 = arith.constant 0 : i32
      %parallel_loop3A_265 = tpu.memref_slice %arg5[%parallel_loop3A_202, %parallel_loop3A_263, %parallel_loop3A_264] : memref<2x8x1024xf32, #tpu.memory_space<vmem>> -> memref<1x8x1024xf32, #tpu.memory_space<vmem>>
      %parallel_loop3A_266 = tpu.memref_squeeze %parallel_loop3A_265 : memref<1x8x1024xf32, #tpu.memory_space<vmem>> -> memref<8x1024xf32, #tpu.memory_space<vmem>>
      %parallel_loop3A_267 = arith.index_cast %parallel_loop3A_246 : i32 to index
      %parallel_loop3A_268 = arith.index_cast %parallel_loop3A_251 : i32 to index
      %parallel_loop3A_269 = tpu.vector_load %parallel_loop3A_266[%parallel_loop3A_267, %parallel_loop3A_268] {strides = array<i32>} : memref<8x1024xf32, #tpu.memory_space<vmem>>, vector<1x16xf32>,
      %parallel_loop3A_270 = vector.shape_cast %parallel_loop3A_269 : vector<1x16xf32> to vector<16xf32>
      %parallel_loop3A_271 = vector.shape_cast %parallel_loop3A_262 : vector<16xf32> to vector<1x16xf32>
      tpu.vector_store %parallel_loop3A_266[%parallel_loop3A_267, %parallel_loop3A_268], %parallel_loop3A_271 {strides = array<i32>} : memref<8x1024xf32, #tpu.memory_space<vmem>>, vector<1x16xf32>,
    } {sc.loop_unroll_factor = 4 : i64, sc.parallel_access}
    %add3A_203 = arith.constant 24 : i32
    %add3A_204 = arith.addi %mul3A_2, %add3A_203 : i32
    %dma_start3A_205 = arith.constant 1 : i32
    %dma_start3A_206 = arith.constant 0 : i32
    %dma_start3A_207 = arith.constant 0 : i32
    %dma_start3A_208 = tpu.memref_slice %arg5[%dma_start3A_205, %dma_start3A_206, %dma_start3A_207] : memref<2x8x1024xf32, #tpu.memory_space<vmem>> -> memref<1x8x1024xf32, #tpu.memory_space<vmem>>
    %dma_start3A_209 = tpu.memref_squeeze %dma_start3A_208 : memref<1x8x1024xf32, #tpu.memory_space<vmem>> -> memref<8x1024xf32, #tpu.memory_space<vmem>>
    %dma_start3A_210 = arith.constant 0 : i32
    %dma_start3A_211 = tpu.memref_slice %arg3[%add3A_204, %dma_start3A_210] : memref<1024x1024xf32, #tpu.memory_space<hbm>> -> memref<8x1024xf32, #tpu.memory_space<hbm>>
    %dma_start3A_212 = arith.constant 0 : i32
    %dma_start3A_213 = tpu.memref_slice %arg3[%add3A_204, %dma_start3A_212] : memref<1024x1024xf32, #tpu.memory_space<hbm>> -> memref<8x1024xf32, #tpu.memory_space<hbm>>
    %dma_start3A_214 = arith.constant 0 : i32
    %dma_start3A_215 = arith.constant 0 : i32
    %dma_start3A_216 = tpu.memref_slice %arg5[%dma_start3A_205, %dma_start3A_214, %dma_start3A_215] : memref<2x8x1024xf32, #tpu.memory_space<vmem>> -> memref<1x8x1024xf32, #tpu.memory_space<vmem>>
    %dma_start3A_217 = tpu.memref_squeeze %dma_start3A_216 : memref<1x8x1024xf32, #tpu.memory_space<vmem>> -> memref<8x1024xf32, #tpu.memory_space<vmem>>
    tpu.enqueue_dma source(%dma_start3A_217 : memref<8x1024xf32, #tpu.memory_space<vmem>>) target(%dma_start3A_213 : memref<8x1024xf32, #tpu.memory_space<hbm>>) target_semaphore(%arg9 : memref<!tpu.dma_semaphore, #tpu.memory_space<semaphore_mem>>)
    %dma_wait3A_218 = arith.constant 0 : i32
    %dma_wait3A_219 = arith.constant 0 : i32
    %dma_wait3A_220 = arith.constant 0 : i32
    %dma_wait3A_221 = tpu.memref_slice %arg5[%dma_wait3A_218, %dma_wait3A_219, %dma_wait3A_220] : memref<2x8x1024xf32, #tpu.memory_space<vmem>> -> memref<1x8x1024xf32, #tpu.memory_space<vmem>>
    %dma_wait3A_222 = tpu.memref_squeeze %dma_wait3A_221 : memref<1x8x1024xf32, #tpu.memory_space<vmem>> -> memref<8x1024xf32, #tpu.memory_space<vmem>>
    %dma_wait3A_223 = arith.constant 0 : i32
    %dma_wait3A_224 = tpu.memref_slice %arg3[%add3A_158, %dma_wait3A_223] : memref<1024x1024xf32, #tpu.memory_space<hbm>> -> memref<8x1024xf32, #tpu.memory_space<hbm>>
    %dma_wait3A_225 = arith.constant 0 : i32
    %dma_wait3A_226 = tpu.memref_slice %arg3[%add3A_158, %dma_wait3A_225] : memref<1024x1024xf32, #tpu.memory_space<hbm>> -> memref<8x1024xf32, #tpu.memory_space<hbm>>
    %dma_wait3A_227 = arith.constant 0 : i32
    %dma_wait3A_228 = arith.constant 0 : i32
    %dma_wait3A_229 = tpu.memref_slice %arg5[%dma_wait3A_218, %dma_wait3A_227, %dma_wait3A_228] : memref<2x8x1024xf32, #tpu.memory_space<vmem>> -> memref<1x8x1024xf32, #tpu.memory_space<vmem>>
    %dma_wait3A_230 = tpu.memref_squeeze %dma_wait3A_229 : memref<1x8x1024xf32, #tpu.memory_space<vmem>> -> memref<8x1024xf32, #tpu.memory_space<vmem>>
    tpu.wait_dma2 semaphore(%arg8 : memref<!tpu.dma_semaphore, #tpu.memory_space<semaphore_mem>>) src(%dma_wait3A_230 : memref<8x1024xf32, #tpu.memory_space<vmem>>) dst(%dma_wait3A_226 : memref<8x1024xf32, #tpu.memory_space<hbm>>)
    %dma_wait3A_231 = arith.constant 1 : i32
    %dma_wait3A_232 = arith.constant 0 : i32
    %dma_wait3A_233 = arith.constant 0 : i32
    %dma_wait3A_234 = tpu.memref_slice %arg5[%dma_wait3A_231, %dma_wait3A_232, %dma_wait3A_233] : memref<2x8x1024xf32, #tpu.memory_space<vmem>> -> memref<1x8x1024xf32, #tpu.memory_space<vmem>>
    %dma_wait3A_235 = tpu.memref_squeeze %dma_wait3A_234 : memref<1x8x1024xf32, #tpu.memory_space<vmem>> -> memref<8x1024xf32, #tpu.memory_space<vmem>>
    %dma_wait3A_236 = arith.constant 0 : i32
    %dma_wait3A_237 = tpu.memref_slice %arg3[%add3A_204, %dma_wait3A_236] : memref<1024x1024xf32, #tpu.memory_space<hbm>> -> memref<8x1024xf32, #tpu.memory_space<hbm>>
    %dma_wait3A_238 = arith.constant 0 : i32
    %dma_wait3A_239 = tpu.memref_slice %arg3[%add3A_204, %dma_wait3A_238] : memref<1024x1024xf32, #tpu.memory_space<hbm>> -> memref<8x1024xf32, #tpu.memory_space<hbm>>
    %dma_wait3A_240 = arith.constant 0 : i32
    %dma_wait3A_241 = arith.constant 0 : i32
    %dma_wait3A_242 = tpu.memref_slice %arg5[%dma_wait3A_231, %dma_wait3A_240, %dma_wait3A_241] : memref<2x8x1024xf32, #tpu.memory_space<vmem>> -> memref<1x8x1024xf32, #tpu.memory_space<vmem>>
    %dma_wait3A_243 = tpu.memref_squeeze %dma_wait3A_242 : memref<1x8x1024xf32, #tpu.memory_space<vmem>> -> memref<8x1024xf32, #tpu.memory_space<vmem>>
    tpu.wait_dma2 semaphore(%arg9 : memref<!tpu.dma_semaphore, #tpu.memory_space<semaphore_mem>>) src(%dma_wait3A_243 : memref<8x1024xf32, #tpu.memory_space<vmem>>) dst(%dma_wait3A_239 : memref<8x1024xf32, #tpu.memory_space<hbm>>)
    return
  }
}

</mosaic_0001>

<sc_bundles>
// kernel: kernel.3.cloned.1.call-start
scs
__scs_entry_jumppad:
0x0: {  	(pc) =	sbr.rel $0x88, $3  }
0x1: {  	(tag) =	ssettag $0x0;
	lr =	simm.s32 $0x1  }
0x2: {  	[smem:$0x3FA0] =	sst lr;
	_ =	strace $0xD0000000  }
0x3: {  	_ = 	snop  }
0x4: {  	_ = 	snop  }
0x5: {  	_ = 	snop  }
0x6: {  	_ = 	snop  }
0x7: {  	_ = 	snop  }
__scs_overlays_trampoline_lowered:
0x8: {  	[smem:$0x3FAF] =	sst s0  }
0x9: {  	[smem:$0x3FB0] =	sst s1  }
0xa: {  	[smem:$0x3FB1] =	sst s2  }
0xb: {  	[smem:$0x3FB2] =	sst s3  }
0xc: {  	[smem:$0x3FB3] =	sst s4  }
0xd: {  	[smem:$0x3FB4] =	sst s5  }
0xe: {  	[smem:$0x3FB5] =	sst s6  }
0xf: {  	[smem:$0x3FB6] =	sst s7  }
0x10: {  	[smem:$0x3FB7] =	sst s8  }
0x11: {  	[smem:$0x3FB8] =	sst s9;
	s0 =	simm.s32 @!p0 $0x0  }
0x12: {  	s1 =	sld [smem:$0x3F9E];
	s0 =	simm.s32 @p0 $0x1  }
0x13: {  	[smem:$0x3FB9] =	sst s0;
	s0 =	simm.s32 @!p1 $0x0  }
0x14: {  	s2 =	sld [smem:$0x3F9D];
	s0 =	simm.s32 @p1 $0x1  }
0x15: {  	[smem:$0x3FBA] =	sst s0;
	s0 =	simm.s32 @!p2 $0x0  }
0x16: {  	s3 =	sld [smem:$0x3FDB];
	s0 =	simm.s32 @p2 $0x1  }
0x17: {  	s4 =	simm.s32 $0x1BF5;
	[smem:$0x3FBC] =	sst s0  }
0x18: {  	s0 =	sld [smem:$0x3F9F];
	_ =	swait.ge [sflag:s4], $0x0  }
0x19: {  	s7 =	sld [smem:$0x3FA0]  }
0x1a: {  	s8 =	sadd.s32 $0xFFFFE003, lr  }
0x1b: {  	s9 =	sadd.s32 $0xFFFFFEF7, lr;
	s5 =	simm.s32 $0xFFFFFFFF;
	p2 =	slt.u32 s8, $0xFFFFF086  }
0x1c: {  	p1 =	slt.u32 s9, $0xF7A;
	s5 =	simm.s32 @!p2 $0x0  }
0x1d: {  	s5 =	simm.s32 @p1 $0x1;
	p0 =	seq.s32 s7, s2  }
0x1e: {  	s7 =	smul.u32 @!p0 $0xF7A, s2;
	p2 =	seq.s32 @!p0 s5, $0x0  }
0x1f: {  	s9 =	smul.u32 $0xF7A, s1;
	s8 =	simm.s32 @!p0 $0x1BF5;
	p2 =	por !p2, p0  }
0x20: {  	[sflag:s8] =	ssyncset.s32 @!p0 $0xFFFFF086;
	s6 =	sadd.s32 @!p0 s3, s7;
	s7 =	simm.s32 @!p0 $0x108  }
0x21: {  	s3 =	sadd.s32 s3, s9;
	s6 =	sadd.s32 @!p0 $0x88, s6;
	s7 =	simm.s32 @p2 $0x1082  }
0x22: {  	[simem:s7], [sflag:s8] =	dma.local @!p0 [hbm:s6], $0xF7A  }
0x23: {  	s9 =	sor.u32 $0xD0000000, s2;
	s6 =	simm.s32 $0x108;
	_ =	swait.ge @!p0 [sflag:s8], $0x0  }
0x24: {  	s3 =	sadd.s32 $0x88, s3;
	s6 =	simm.s32 @!p1 $0x1082;
	[sflag:s4] =	ssyncset.s32 $0xFFFFF086  }
0x25: {  	[simem:s6], [sflag:s4] =	dma.local [hbm:s3], $0xF7A  }
0x26: {  	[smem:$0x3FA0] =	sst s1;
	(tag) =	ssettag s2;
	_ =	strace s9  }
0x27: {  	s1 =	sld [smem:$0x3FB0]  }
0x28: {  	s2 =	sld [smem:$0x3FB1]  }
0x29: {  	s4 =	sld [smem:$0x3FB3]  }
0x2a: {  	p0 =	seq.s32 s5, $0x0;
	s5 =	sld [smem:$0x3FB4]  }
0x2b: {  	s6 =	sld [smem:$0x3FB5]  }
0x2c: {  	s7 =	sld [smem:$0x3FB6]  }
0x2d: {  	s3 =	simm.s32 $0x108;
	s8 =	sld [smem:$0x3FB7]  }
0x2e: {  	s3 =	simm.s32 @!p0 $0x1082;
	s9 =	sld [smem:$0x3FB8]  }
0x2f: {  	lr =	sadd.s32 s0, s3;
	s0 =	sld [smem:$0x3FAF]  }
0x30: {  	s3 =	sld [smem:$0x3FB2]  }
0x31: {  	[smem:$0x3FBB] =	sst s10  }
0x32: {  	s10 =	sld [smem:$0x3FB9];
	_ =	sdelay $0x3  }
0x33: {  	p0 =	seq.s32 s10, $0x1;
	s10 =	sld [smem:$0x3FBB];
	_ =	sdelay $0x3  }
0x34: {  	[smem:$0x3FBB] =	sst s10  }
0x35: {  	s10 =	sld [smem:$0x3FBA];
	_ =	sdelay $0x3  }
0x36: {  	p1 =	seq.s32 s10, $0x1;
	s10 =	sld [smem:$0x3FBB];
	_ =	sdelay $0x3  }
0x37: {  	[smem:$0x3FBB] =	sst s10  }
0x38: {  	s10 =	sld [smem:$0x3FBC]  }
0x39: {  	_ = 	snop;
	(pc) =	sbr.ind lr, $3  }
0x3a: {  	_ = 	snop  }
0x3b: {  	_ = 	snop  }
0x3c: {  	p2 =	seq.s32 s10, $0x1;
	s10 =	sld [smem:$0x3FBB]  }
0x3d: {  	_ =	shalt  }
0x3e: {  	_ =	shalt  }
0x3f: {  	_ =	shalt  }
0x40: {  	_ =	shalt  }
0x41: {  	_ =	shalt  }
0x42: {  	_ =	shalt  }
0x43: {  	_ =	shalt  }
0x44: {  	_ =	shalt  }
0x45: {  	_ =	shalt  }
0x46: {  	_ =	shalt  }
0x47: {  	_ =	shalt  }
0x48: {  	_ =	shalt  }
0x49: {  	_ =	shalt  }
0x4a: {  	_ =	shalt  }
0x4b: {  	_ =	shalt  }
0x4c: {  	_ =	shalt  }
0x4d: {  	_ =	shalt  }
0x4e: {  	_ =	shalt  }
0x4f: {  	_ =	shalt  }
0x50: {  	_ =	shalt  }
0x51: {  	_ =	shalt  }
0x52: {  	_ =	shalt  }
0x53: {  	_ =	shalt  }
0x54: {  	_ =	shalt  }
0x55: {  	_ =	shalt  }
0x56: {  	_ =	shalt  }
0x57: {  	_ =	shalt  }
0x58: {  	_ =	shalt  }
0x59: {  	_ =	shalt  }
0x5a: {  	_ =	shalt  }
0x5b: {  	_ =	shalt  }
0x5c: {  	_ =	shalt  }
0x5d: {  	_ =	shalt  }
0x5e: {  	_ =	shalt  }
0x5f: {  	_ =	shalt  }
0x60: {  	_ =	shalt  }
0x61: {  	_ =	shalt  }
0x62: {  	_ =	shalt  }
0x63: {  	_ =	shalt  }
0x64: {  	_ =	shalt  }
0x65: {  	_ =	shalt  }
0x66: {  	_ =	shalt  }
0x67: {  	_ =	shalt  }
0x68: {  	_ =	shalt  }
0x69: {  	_ =	shalt  }
0x6a: {  	_ =	shalt  }
0x6b: {  	_ =	shalt  }
0x6c: {  	_ =	shalt  }
0x6d: {  	_ =	shalt  }
0x6e: {  	_ =	shalt  }
0x6f: {  	_ =	shalt  }
0x70: {  	_ =	shalt  }
0x71: {  	_ =	shalt  }
0x72: {  	_ =	shalt  }
0x73: {  	_ =	shalt  }
0x74: {  	_ =	shalt  }
0x75: {  	_ =	shalt  }
0x76: {  	_ =	shalt  }
0x77: {  	_ =	shalt  }
0x78: {  	_ =	shalt  }
0x79: {  	_ =	shalt  }
0x7a: {  	_ =	shalt  }
0x7b: {  	_ =	shalt  }
0x7c: {  	_ =	shalt  }
0x7d: {  	_ =	shalt  }
0x7e: {  	_ =	shalt  }
0x7f: {  	_ =	shalt  }
0x80: {  	_ =	shalt  }
0x81: {  	_ =	shalt  }
0x82: {  	_ =	shalt  }
0x83: {  	_ =	shalt  }
0x84: {  	_ =	shalt  }
0x85: {  	_ =	shalt  }
0x86: {  	_ =	shalt  }
0x87: {  	_ =	shalt  }
.Lfunc_end0:
.L_simem_size_0:
called_computation_lowered:
.L_overlay_start_0:
0x88: {  	s2 =	sld [smem:$0x3FD9]  }
0x89: {  	s3 =	sld [smem:$0x3FFE];
	_ =	sdelay $0x1  }
0x8a: {  	s1 =	srdreg.scid  }
0x8b: {  	s0 =	sand.u32 $0x1, s1  }
0x8c: {  	s18 =	sshll.u32 s0, $0xA;
	s2 =	sadd.s32 s3, s2  }
0x8d: {  	s2 =	sadd.s32 s2, s18  }
0x8e: {  	[smem:$0x3FC7] =	sst s2  }
0x8f: {  	_ = 	snop  }
0x90: {  	s2 =	sld [smem:$0x3FC9]  }
0x91: {  	s19 =	sld [smem:$0x3FD0];
	(tm) =	ssettm $0x1  }
0x92: {  	s4 =	sld [smem:$0x3FFB];
	_ =	sdelay $0x3  }
0x93: {  	_ =	strace s4  }
0x94: {  	s4 =	sld [smem:$0x3FFC];
	_ =	sdelay $0x3  }
0x95: {  	_ =	strace s4  }
0x96: {  	s4 =	sld [smem:$0x3FFD];
	_ =	sdelay $0x3  }
0x97: {  	_ =	strace s4  }
0x98: {  	_ =	strace $0x8FFFFFFF  }
0x99: {  	s20 =	sld [smem:$0x3FDB];
	_ =	sdelay $0x1  }
0x9a: {  	s5 =	simm.s32 $_scs_section_size  }
0x9b: {  	s6 =	simm.s32 $_size__tile_overlayer_lowered;
	s7 =	simm.s32 $_tile_overlayer_lowered  }
0x9c: {  	s23 =	simm.s32 $0x1BFF;
	s22 =	sshll.u32 s7, $0x1;
	s4 =	sadd.s32 s5, s20  }
0x9d: {  	s8 =	simm.s32 $0x0;
	s21 =	sshll.u32 s6, $0x1;
	s6 =	sadd.s32 s22, s4  }
0x9e: {  	[timem:s8], [sflag:s23] =	dma.local [hbm:s6], s21  }
0x9f: {  	_ =	swait.ge [sflag:s23], s21  }
0xa0: {  	s5 =	ssub.s32 $0x0, s21;
	[sflag:s23] =	ssyncset.done $0x0  }
0xa1: {  	[sflag:s23] =	ssyncadd.s32 s5;
	_ =	sdelay $0x1  }
0xa2: {  	s24 =	simm.s32 $0x1B8B  }
0xa3: {  	_ =	swait.ge [sflag:s24], $0x1  }
0xa4: {  	[sflag:s24] =	ssyncset.done $0x0  }
0xa5: {  	s25 =	simm.s32 $0x1B8E;
	[sflag:s24] =	ssyncadd.s32 $0xFFFFFFFF  }
0xa6: {  	s26 =	simm.s32 $execute0_lowered;
	[smem:$0x3FD2] =	sst s25  }
0xa7: {  	s5 =	sshll.u32 s26, $0x1;
	_ =	strace $0x80000046;
	[dreg:$0x1] =	wrdreg $0xFFFFFFFF  }
0xa8: {  	s28 =	simm.s32 $_size_execute0_lowered;
	s4 =	sadd.s32 s4, s5;
	[dreg:$0x0] =	wrdreg $0x0  }
0xa9: {  	s5 =	sshll.u32 s28, $0x1;
	[dreg:$0x2] =	wrdreg s4  }
0xaa: {  	[dreg:$0x3] =	wrdreg s5  }
0xab: {  	[dreg:$0x4] =	wrdreg $0xC0  }
0xac: {  	_ =	task [dreg:s8], $0x5FFFF  }
0xad: {  	[dreg:$0x1] =	wrdreg $0xFFFFFFFF  }
0xae: {  	[dreg:$0x0] =	wrdreg $0x60  }
0xaf: {  	[dreg:$0x2] =	wrdreg s2  }
0xb0: {  	[dreg:$0x3] =	wrdreg s19  }
0xb1: {  	[dreg:$0x4] =	wrdreg $0x9  }
0xb2: {  	_ =	task.clear_ibuf [dreg:s8], $0x5FFFF;
	_ =	strace $0x90000046  }
0xb3: {  	s29 =	simm.s32 $0x9;
	_ =	strace $0x80000048  }
0xb4: {  	_ =	swait.ge [sflag:s29], $0x1  }
0xb5: {  	[sflag:s29] =	ssyncadd.s32 $0xFFFFFFFF  }
0xb6: {  	_ =	strace $0x90000048  }
0xb7: {  	_ =	sfence  }
0xb8: {  	s30 =	sld [smem:$0x0];
	_ =	sdelay $0x2  }
0xb9: {  	s31 =	sshll.u32 s1, $0xD;
	s1 =	sshrl.u32 s1, $0x2  }
0xba: {  	s3 =	sand.u32 $0x4000, s31;
	s1 =	sadd.s32 s1, s30  }
0xbb: {  	s0 =	sor.u32 s3, s0;
	s1 =	sshll.u32 s1, $0x11  }
0xbc: {  	s0 =	sor.u32 s1, s0  }
0xbd: {  	s0 =	sadd.s32 $0x8F2B, s0  }
0xbe: {  	[sflag:s0] =	ssyncadd.remote.s32 $0x1  }
0xbf: {  	_ =	sfence.sel $0xFFFF  }
0xc0: {  	[dreg:$0x0] =	wrdreg $0xFFFFFFFF;
	(pc) =	sbr.abs _section_cstart, $3  }
0xc1: {  	[dreg:$0x1] =	wrdreg $0xFFFFFFFF  }
0xc2: {  	_ =	task.clear_ibuf [dreg:s8], $0x2FFFF;
	_ =	strace $0x9FFFFFFF  }
0xc3: {  	(tm) =	ssettm $0x7FFFFFFF  }
tec
execute0_lowered:
.L_overlay_start_1:
0x0: {  	(tag) =	ssettag $0x1  }
0x1: {  	s8 =	rddreg [dreg:$0x0]  }
0x2: {  	s10 =	rddreg [dreg:$0x1]  }
0x3: {  	s0 =	rddreg [dreg:$0x2];
	s2 =	simm.s32 $0x0;
	s3 =	srdreg.scid  }
0x4: {  	s1 =	stileid.u32;
	s14 =	simm.s32 $0x4000;
	s15 =	simm.s32 $0x2  }
0x5: {  	s16 =	simm.s32 $0x6000;
	s17 =	simm.s32 $0x3;
	s18 =	simm.s32 $0x4  }
0x6: {  	s19 =	simm.s32 $0x0;
	[smem:$0x7FF] =	sst s2;
	s3 =	sand.u32 $0x1, s3  }
0x7: {  	s5 =	sshll.u32 s1, $0xD;
	s4 =	ssub.s32 $0x2, s3;
	s3 =	sshll.u32 s3, $0xC  }
0x8: {  	_ =	strace $0x80000047;
	s6 =	sshrl.u32 s4, $0x1;
	s9 =	sor.u32 s3, s5  }
0x9: {  	s11 =	ssub.s32 s4, s6;
	s3 =	sadd.s32 s8, s9;
	s7 =	sor.u32 $0x400, s9  }
0xa: {  	s5 =	sadd.s32 s10, s9;
	s12 =	sor.u32 $0x800, s9;
	s13 =	sor.u32 $0xC00, s9  }
0xb: {  	s4 =	sadd.s32 s8, s7;
	s6 =	sadd.s32 s8, s12;
	s7 =	sadd.s32 s10, s7  }
0xc: {  	s8 =	sadd.s32 s8, s13;
	s9 =	sadd.s32 s10, s12;
	s10 =	sadd.s32 s10, s13  }
0xd: {  	s11 =	smax.u32 s11, $0x1;
	s12 =	simm.s32 $0x2000;
	s13 =	simm.s32 $0x1  }
.LBB2_1:
0xe: {  	[tilespmem:s2], [sflag:$0x1] =	stream.linear.gather [hbm4b:s3+s2], $0x2000, $0x38;
	[tilespmem:$0x8000] =	vst v63  }
0xf: {  	_ = 	snop  }
0x10: {  	[tilespmem:s12], [sflag:$0x2] =	stream.linear.gather [hbm4b:s4+s2], $0x2000, $0x38;
	[tilespmem:$0x8000] =	vst v63  }
0x11: {  	s20 =	sand.u32 $0x1C00, s2;
	s21 =	sand.u32 $0x380, s2;
	_ =	swait.ge [sflag:s13], $0x2000  }
0x12: {  	s22 =	sand.u32 $0x40, s2;
	s20 =	sor.u32 s21, s20;
	[sflag:s13] =	ssyncset.done $0x0  }
0x13: {  	s20 =	sor.u32 s22, s20;
	[sflag:s13] =	ssyncadd.s32 $0xFFFFE000  }
0x14: {  	v2 =	vld [tilespmem:s20+$0x30]  }
0x15: {  	v3 =	vld [tilespmem:s20+$0x20]  }
0x16: {  	s23 =	simm.s32 $0x200;
	s22 =	simm.s32 $0x8  }
0x17: {  	s24 =	simm.s32 $0x40;
	s31 =	sand.u32 $0x1C00, s23;
	s25 =	sand.u32 $0x380, s22;
	v0 =	vld [tilespmem:s20+$0x10]  }
0x18: {  	s26 =	sand.u32 $0x40, s24;
	s21 =	sor.u32 s25, s31;
	v1 =	vld [tilespmem:s20+$0x0]  }
0x19: {  	s21 =	sor.u32 s26, s21  }
0x1a: {  	s25 =	simm.s32 $0x4;
	v4 =	vmul.f32 $3.125000000e-02, v2;
	v2 =	vld [tilespmem:s21+$0x30];
	v3 =	vmul.f32 $3.125000000e-02, v3  }
.LBB2_2:
0x1b: {  	s25 =	sadd.s32 $0x4, s25  }
0x1c: {  	v5 =	vld [tilespmem:s21+$0x20];
	v6 =	vmul.f32 $3.125000000e-02, v0;
	[tilespmem:s20+$0x4030] =	vst v4;
	p0 =	slt.u32 s25, $0x1FC  }
.Ltmp0:
0x1d: {  	s22 =	sadd.s32 $0x8, s22;
	s23 =	sadd.s32 $0x200, s23;
	v0 =	vld [tilespmem:s21+$0x10];
	v4 =	vmul.f32 $3.125000000e-02, v1;
	[tilespmem:s20+$0x4020] =	vst v3;
	(pc) =	sbr.rel @p0 .LBB2_2-.Ltmp0, $4  }
0x1e: {  	s24 =	sadd.s32 $0x40, s24;
	s26 =	sand.u32 $0x1C00, s23;
	s28 =	sand.u32 $0x380, s22;
	v1 =	vld [tilespmem:s21+$0x0];
	[tilespmem:s20+$0x4010] =	vst v6  }
0x1f: {  	s29 =	sand.u32 $0x40, s24;
	s26 =	sor.u32 s28, s26;
	[tilespmem:s20+$0x4000] =	vst v4  }
0x20: {  	s20 =	smov.u32 s21;
	s21 =	sor.u32 s29, s26;
	v4 =	vmul.f32 $3.125000000e-02, v2  }
0x21: {  	v2 =	vld [tilespmem:s21+$0x30];
	v3 =	vmul.f32 $3.125000000e-02, v5  }
0x22: {  	v5 =	vld [tilespmem:s21+$0x20]  }
0x23: {  	v6 =	vld [tilespmem:s21+$0x10]  }
0x24: {  	v0 =	vmul.f32 $3.125000000e-02, v0;
	[tilespmem:s20+$0x4030] =	vst v4;
	v4 =	vld [tilespmem:s21+$0x0]  }
0x25: {  	[tilespmem:s20+$0x4020] =	vst v3;
	v1 =	vmul.f32 $3.125000000e-02, v1  }
0x26: {  	[tilespmem:s20+$0x4010] =	vst v0;
	v0 =	vmul.f32 $3.125000000e-02, v2  }
0x27: {  	[tilespmem:s20+$0x4000] =	vst v1;
	v1 =	vmul.f32 $3.125000000e-02, v5  }
0x28: {  	v2 =	vmul.f32 $3.125000000e-02, v6;
	[tilespmem:s21+$0x4030] =	vst v0  }
0x29: {  	v0 =	vmul.f32 $3.125000000e-02, v4;
	[tilespmem:s21+$0x4020] =	vst v1  }
0x2a: {  	[tilespmem:s21+$0x4010] =	vst v2  }
0x2b: {  	s29 =	simm.s32 $0x0;
	[tilespmem:s21+$0x4000] =	vst v0  }
0x2c: {  	[hbm4b:s5+s29] =	stream.linear.scatter [tilespmem:s14], [sflag:$0x3], $0x2000, $0x38;
	[tilespmem:$0x8000] =	vst v63  }
0x2d: {  	_ = 	snop  }
0x2e: {  	[tilespmem:s29], [sflag:$0x1] =	stream.linear.gather [hbm4b:s6+s29], $0x2000, $0x38;
	[tilespmem:$0x8000] =	vst v63  }
0x2f: {  	s30 =	sand.u32 $0x1C00, s29;
	s22 =	sand.u32 $0x380, s29;
	_ =	swait.ge [sflag:s15], $0x2000  }
0x30: {  	s20 =	sand.u32 $0x40, s29;
	s21 =	sor.u32 s22, s30;
	[sflag:s15] =	ssyncset.done $0x0  }
0x31: {  	s20 =	sor.u32 s20, s21;
	[sflag:s15] =	ssyncadd.s32 $0xFFFFE000  }
0x32: {  	v2 =	vld [tilespmem:s20+$0x2030]  }
0x33: {  	v3 =	vld [tilespmem:s20+$0x2020]  }
0x34: {  	s23 =	simm.s32 $0x200;
	s22 =	simm.s32 $0x8  }
0x35: {  	s24 =	simm.s32 $0x40;
	s31 =	sand.u32 $0x1C00, s23;
	s25 =	sand.u32 $0x380, s22;
	v0 =	vld [tilespmem:s20+$0x2010]  }
0x36: {  	s26 =	sand.u32 $0x40, s24;
	s21 =	sor.u32 s25, s31;
	v1 =	vld [tilespmem:s20+$0x2000]  }
0x37: {  	s21 =	sor.u32 s26, s21  }
0x38: {  	s25 =	simm.s32 $0x4;
	v4 =	vmul.f32 $3.125000000e-02, v2;
	v2 =	vld [tilespmem:s21+$0x2030];
	v3 =	vmul.f32 $3.125000000e-02, v3  }
.LBB2_4:
0x39: {  	s25 =	sadd.s32 $0x4, s25  }
0x3a: {  	v5 =	vld [tilespmem:s21+$0x2020];
	v6 =	vmul.f32 $3.125000000e-02, v0;
	[tilespmem:s20+$0x6030] =	vst v4;
	p0 =	slt.u32 s25, $0x1FC  }
.Ltmp1:
0x3b: {  	s22 =	sadd.s32 $0x8, s22;
	s23 =	sadd.s32 $0x200, s23;
	v0 =	vld [tilespmem:s21+$0x2010];
	v4 =	vmul.f32 $3.125000000e-02, v1;
	[tilespmem:s20+$0x6020] =	vst v3;
	(pc) =	sbr.rel @p0 .LBB2_4-.Ltmp1, $4  }
0x3c: {  	s24 =	sadd.s32 $0x40, s24;
	s26 =	sand.u32 $0x1C00, s23;
	s28 =	sand.u32 $0x380, s22;
	v1 =	vld [tilespmem:s21+$0x2000];
	[tilespmem:s20+$0x6010] =	vst v6  }
0x3d: {  	s29 =	sand.u32 $0x40, s24;
	s26 =	sor.u32 s28, s26;
	[tilespmem:s20+$0x6000] =	vst v4  }
0x3e: {  	s20 =	smov.u32 s21;
	s21 =	sor.u32 s29, s26;
	v4 =	vmul.f32 $3.125000000e-02, v2  }
0x3f: {  	v2 =	vld [tilespmem:s21+$0x2030];
	v3 =	vmul.f32 $3.125000000e-02, v5  }
0x40: {  	v5 =	vld [tilespmem:s21+$0x2020]  }
0x41: {  	v6 =	vld [tilespmem:s21+$0x2010]  }
0x42: {  	v0 =	vmul.f32 $3.125000000e-02, v0;
	[tilespmem:s20+$0x6030] =	vst v4;
	v4 =	vld [tilespmem:s21+$0x2000]  }
0x43: {  	[tilespmem:s20+$0x6020] =	vst v3;
	v1 =	vmul.f32 $3.125000000e-02, v1  }
0x44: {  	[tilespmem:s20+$0x6010] =	vst v0;
	v0 =	vmul.f32 $3.125000000e-02, v2  }
0x45: {  	[tilespmem:s20+$0x6000] =	vst v1;
	v1 =	vmul.f32 $3.125000000e-02, v5  }
0x46: {  	v2 =	vmul.f32 $3.125000000e-02, v6;
	[tilespmem:s21+$0x6030] =	vst v0  }
0x47: {  	v0 =	vmul.f32 $3.125000000e-02, v4;
	[tilespmem:s21+$0x6020] =	vst v1  }
0x48: {  	[tilespmem:s21+$0x6010] =	vst v2  }
0x49: {  	s29 =	simm.s32 $0x0;
	[tilespmem:s21+$0x6000] =	vst v0  }
0x4a: {  	[hbm4b:s7+s29] =	stream.linear.scatter [tilespmem:s16], [sflag:$0x4], $0x2000, $0x38;
	[tilespmem:$0x8000] =	vst v63  }
0x4b: {  	_ = 	snop  }
0x4c: {  	[tilespmem:s12], [sflag:$0x2] =	stream.linear.gather [hbm4b:s8+s29], $0x2000, $0x38;
	[tilespmem:$0x8000] =	vst v63  }
0x4d: {  	_ =	swait.ge [sflag:s13], $0x2000  }
0x4e: {  	[sflag:s13] =	ssyncset.done $0x0  }
0x4f: {  	[sflag:s13] =	ssyncadd.s32 $0xFFFFE000  }
0x50: {  	s30 =	sand.u32 $0x1C00, s29;
	s22 =	sand.u32 $0x380, s29;
	_ =	swait.ge [sflag:s17], $0x2000  }
0x51: {  	s20 =	sand.u32 $0x40, s29;
	s21 =	sor.u32 s22, s30;
	[sflag:s17] =	ssyncset.done $0x0  }
0x52: {  	s20 =	sor.u32 s20, s21;
	[sflag:s17] =	ssyncadd.s32 $0xFFFFE000  }
0x53: {  	v2 =	vld [tilespmem:s20+$0x30]  }
0x54: {  	v3 =	vld [tilespmem:s20+$0x20]  }
0x55: {  	s23 =	simm.s32 $0x200;
	s22 =	simm.s32 $0x8  }
0x56: {  	s24 =	simm.s32 $0x40;
	s31 =	sand.u32 $0x1C00, s23;
	s25 =	sand.u32 $0x380, s22;
	v0 =	vld [tilespmem:s20+$0x10]  }
0x57: {  	s26 =	sand.u32 $0x40, s24;
	s21 =	sor.u32 s25, s31;
	v1 =	vld [tilespmem:s20+$0x0]  }
0x58: {  	s21 =	sor.u32 s26, s21  }
0x59: {  	s25 =	simm.s32 $0x4;
	v4 =	vmul.f32 $3.125000000e-02, v2;
	v2 =	vld [tilespmem:s21+$0x30];
	v3 =	vmul.f32 $3.125000000e-02, v3  }
.LBB2_6:
0x5a: {  	s25 =	sadd.s32 $0x4, s25  }
0x5b: {  	v5 =	vld [tilespmem:s21+$0x20];
	v6 =	vmul.f32 $3.125000000e-02, v0;
	[tilespmem:s20+$0x4030] =	vst v4;
	p0 =	slt.u32 s25, $0x1FC  }
.Ltmp2:
0x5c: {  	s22 =	sadd.s32 $0x8, s22;
	s23 =	sadd.s32 $0x200, s23;
	v0 =	vld [tilespmem:s21+$0x10];
	v4 =	vmul.f32 $3.125000000e-02, v1;
	[tilespmem:s20+$0x4020] =	vst v3;
	(pc) =	sbr.rel @p0 .LBB2_6-.Ltmp2, $4  }
0x5d: {  	s24 =	sadd.s32 $0x40, s24;
	s26 =	sand.u32 $0x1C00, s23;
	s28 =	sand.u32 $0x380, s22;
	v1 =	vld [tilespmem:s21+$0x0];
	[tilespmem:s20+$0x4010] =	vst v6  }
0x5e: {  	s29 =	sand.u32 $0x40, s24;
	s26 =	sor.u32 s28, s26;
	[tilespmem:s20+$0x4000] =	vst v4  }
0x5f: {  	s20 =	smov.u32 s21;
	s21 =	sor.u32 s29, s26;
	v4 =	vmul.f32 $3.125000000e-02, v2  }
0x60: {  	v2 =	vld [tilespmem:s21+$0x30];
	v3 =	vmul.f32 $3.125000000e-02, v5  }
0x61: {  	v5 =	vld [tilespmem:s21+$0x20]  }
0x62: {  	v6 =	vld [tilespmem:s21+$0x10]  }
0x63: {  	v0 =	vmul.f32 $3.125000000e-02, v0;
	[tilespmem:s20+$0x4030] =	vst v4;
	v4 =	vld [tilespmem:s21+$0x0]  }
0x64: {  	[tilespmem:s20+$0x4020] =	vst v3;
	v1 =	vmul.f32 $3.125000000e-02, v1  }
0x65: {  	[tilespmem:s20+$0x4010] =	vst v0;
	v0 =	vmul.f32 $3.125000000e-02, v2  }
0x66: {  	[tilespmem:s20+$0x4000] =	vst v1;
	v1 =	vmul.f32 $3.125000000e-02, v5  }
0x67: {  	v2 =	vmul.f32 $3.125000000e-02, v6;
	[tilespmem:s21+$0x4030] =	vst v0  }
0x68: {  	v0 =	vmul.f32 $3.125000000e-02, v4;
	[tilespmem:s21+$0x4020] =	vst v1  }
0x69: {  	[tilespmem:s21+$0x4010] =	vst v2  }
0x6a: {  	s29 =	simm.s32 $0x0;
	[tilespmem:s21+$0x4000] =	vst v0  }
0x6b: {  	[hbm4b:s9+s29] =	stream.linear.scatter [tilespmem:s14], [sflag:$0x3], $0x2000, $0x38;
	[tilespmem:$0x8000] =	vst v63  }
0x6c: {  	_ =	swait.ge [sflag:s15], $0x2000  }
0x6d: {  	[sflag:s15] =	ssyncset.done $0x0  }
0x6e: {  	[sflag:s15] =	ssyncadd.s32 $0xFFFFE000  }
0x6f: {  	s30 =	sand.u32 $0x1C00, s29;
	s22 =	sand.u32 $0x380, s29;
	_ =	swait.ge [sflag:s18], $0x2000  }
0x70: {  	s20 =	sand.u32 $0x40, s29;
	s21 =	sor.u32 s22, s30;
	[sflag:s18] =	ssyncset.done $0x0  }
0x71: {  	s20 =	sor.u32 s20, s21;
	[sflag:s18] =	ssyncadd.s32 $0xFFFFE000  }
0x72: {  	v2 =	vld [tilespmem:s20+$0x2030]  }
0x73: {  	v3 =	vld [tilespmem:s20+$0x2020]  }
0x74: {  	s23 =	simm.s32 $0x200;
	s22 =	simm.s32 $0x8  }
0x75: {  	s24 =	simm.s32 $0x40;
	s31 =	sand.u32 $0x1C00, s23;
	s25 =	sand.u32 $0x380, s22;
	v0 =	vld [tilespmem:s20+$0x2010]  }
0x76: {  	s26 =	sand.u32 $0x40, s24;
	s21 =	sor.u32 s25, s31;
	v1 =	vld [tilespmem:s20+$0x2000]  }
0x77: {  	s21 =	sor.u32 s26, s21  }
0x78: {  	s25 =	simm.s32 $0x4;
	v4 =	vmul.f32 $3.125000000e-02, v2;
	v2 =	vld [tilespmem:s21+$0x2030];
	v3 =	vmul.f32 $3.125000000e-02, v3  }
.LBB2_8:
0x79: {  	s25 =	sadd.s32 $0x4, s25  }
0x7a: {  	v5 =	vld [tilespmem:s21+$0x2020];
	v6 =	vmul.f32 $3.125000000e-02, v0;
	[tilespmem:s20+$0x6030] =	vst v4;
	p0 =	slt.u32 s25, $0x1FC  }
.Ltmp3:
0x7b: {  	s22 =	sadd.s32 $0x8, s22;
	s23 =	sadd.s32 $0x200, s23;
	v0 =	vld [tilespmem:s21+$0x2010];
	v4 =	vmul.f32 $3.125000000e-02, v1;
	[tilespmem:s20+$0x6020] =	vst v3;
	(pc) =	sbr.rel @p0 .LBB2_8-.Ltmp3, $4  }
0x7c: {  	s24 =	sadd.s32 $0x40, s24;
	s26 =	sand.u32 $0x1C00, s23;
	s28 =	sand.u32 $0x380, s22;
	v1 =	vld [tilespmem:s21+$0x2000];
	[tilespmem:s20+$0x6010] =	vst v6  }
0x7d: {  	s29 =	sand.u32 $0x40, s24;
	s26 =	sor.u32 s28, s26;
	[tilespmem:s20+$0x6000] =	vst v4  }
0x7e: {  	s20 =	smov.u32 s21;
	s21 =	sor.u32 s29, s26;
	v4 =	vmul.f32 $3.125000000e-02, v2  }
0x7f: {  	v2 =	vld [tilespmem:s21+$0x2030];
	v3 =	vmul.f32 $3.125000000e-02, v5  }
0x80: {  	v5 =	vld [tilespmem:s21+$0x2020]  }
0x81: {  	v6 =	vld [tilespmem:s21+$0x2010]  }
0x82: {  	v0 =	vmul.f32 $3.125000000e-02, v0;
	[tilespmem:s20+$0x6030] =	vst v4;
	v59 =	vld [tilespmem:s21+$0x2000]  }
0x83: {  	[tilespmem:s20+$0x6020] =	vst v3;
	v1 =	vmul.f32 $3.125000000e-02, v1  }
0x84: {  	[tilespmem:s20+$0x6010] =	vst v0;
	v60 =	vmul.f32 $3.125000000e-02, v2  }
0x85: {  	[tilespmem:s20+$0x6000] =	vst v1;
	v61 =	vmul.f32 $3.125000000e-02, v5  }
0x86: {  	v62 =	vmul.f32 $3.125000000e-02, v6;
	[tilespmem:s21+$0x6030] =	vst v60  }
0x87: {  	v63 =	vmul.f32 $3.125000000e-02, v59;
	[tilespmem:s21+$0x6020] =	vst v61  }
0x88: {  	[tilespmem:s21+$0x6010] =	vst v62  }
0x89: {  	s19 =	sadd.s32 $0x1, s19;
	[tilespmem:s21+$0x6000] =	vst v63  }
0x8a: {  	[hbm4b:s10+s2] =	stream.linear.scatter [tilespmem:s16], [sflag:$0x4], $0x2000, $0x38;
	[tilespmem:$0x8000] =	vst v63  }
0x8b: {  	p0 =	sne.s32 s19, s11;
	_ =	swait.ge [sflag:s17], $0x2000  }
.Ltmp4:
0x8c: {  	[sflag:s17] =	ssyncset.done $0x0;
	(pc) =	sbr.rel @p0 .LBB2_1-.Ltmp4, $4  }
0x8d: {  	[sflag:s17] =	ssyncadd.s32 $0xFFFFE000  }
0x8e: {  	_ =	swait.ge [sflag:s18], $0x2000  }
0x8f: {  	[sflag:s18] =	ssyncset.done $0x0  }
0x90: {  	[sflag:s18] =	ssyncadd.s32 $0xFFFFE000  }
0x91: {  	_ =	sfence.sel $0x180000  }
0x92: {  	[bflag:$0x0] =	sbarrier.arrive $0xFFFF  }
0x93: {  	p0 =	sne.s32 s1, $0x0;
	_ =	strace $0x90000047  }
0x94: {  	s0 =	sadd.s32 @!p0 $0x100000, s0;
	[bflag:$0x2] =	sbarrier.arrive $0xFFFF  }
0x95: {  	[sflag:s0] =	ssyncadd.tile.s32 @!p0 $0x1;
	_ =	shalt  }
.Lfunc_end2:
_tile_overlayer_lowered:
.L_overlay_start_2:
0x96: {  	(tag) =	ssettag $0x2  }
0x97: {  	s0 =	rddreg [dreg:$0x0];
	s2 =	stileid.u32  }
0x98: {  	s1 =	rddreg [dreg:$0x1];
	p0 =	sne.s32 s2, $0x0  }
0x99: {  	s3 =	rddreg [dreg:$0x2];
	[bflag:$0x3] =	sbarrier.arrive $0xFFFF;
	s2 =	simm.s32 @!p0 $0x1C05  }
0x9a: {  	[timem:s3], [sflag:s2] =	dma.local @!p0 [hbm:s0], s1  }
0x9b: {  	s0 =	simm.s32 @!p0 $0x5  }
0x9c: {  	_ =	swait.ge @!p0 [sflag:s0], s1  }
0x9d: {  	s1 =	ssub.s32 @!p0 $0x0, s1;
	[sflag:s0] =	ssyncset.done @!p0 $0x0  }
0x9e: {  	[sflag:s0] =	ssyncadd.s32 @!p0 s1  }
0x9f: {  	[bflag:$0x3] =	sbarrier.arrive $0xFFFF  }
0xa0: {  	_ =	shalt  }

</sc_bundles>
